<compile_context>
chip_gen: v7x
topology: tpu7x:2x2x1
jax: 0.10.2.dev20260603
libtpu: 0.0.44.dev20260713+nightly
codegen_flags: <defaults>
</compile_context>

<pallas_src>
import jax
import jax.numpy as jnp
from jax import lax
from jax.experimental import pallas as pl
from jax.experimental.pallas import tpu as pltpu

import functools
from jax.experimental.pallas import tpu_sc as plsc
_B = 64
_V = 100000
_BV = 8192
_NB = (_V + _BV - 1) // _BV


def _sc_gathers(centers, mask_f, logits, prev):
    mesh = plsc.VectorSubcoreMesh(core_axis_name="c", subcore_axis_name="s")

    @functools.partial(
        pl.kernel,
        mesh=mesh,
        compiler_params=pltpu.CompilerParams(use_tc_tiling_on_sc=False),
        out_type=jax.ShapeDtypeStruct((_B,), jnp.float32),
        scratch_types=[pltpu.VMEM((_B,), jnp.float32)],
    )
    def k(mask_hbm, out_hbm, buf):
        c = lax.axis_index("c")
        s = lax.axis_index("s")

        @pl.when(jnp.logical_and(c == 0, s == 0))
        def _():
            pltpu.sync_copy(mask_hbm, buf)
            pltpu.sync_copy(buf, out_hbm)

    mg = k(mask_f[:_B])
    return None, mg.reshape(_B, 1), mg.reshape(_B, 1)


def _tc_body(logits_ref, ct_ref, mf_ref, px_ref, py_ref, pz_ref, prev_ref, eps_ref, mprev_ref, lprev_ref, samples_ref, lp_ref, sw_acc):
    j = pl.program_id(0)

    @pl.when(j == 0)
    def _init():
        sw_acc[...] = jnp.zeros((_B, _BV), jnp.float32)

    sw_acc[...] += logits_ref[...] + ct_ref[0:1, :] + mf_ref[...] + px_ref[...] + py_ref[...] + pz_ref[...] + eps_ref[...] + mprev_ref[...] + lprev_ref[...] + prev_ref[...].astype(jnp.float32)

    @pl.when(j == _NB - 1)
    def _fin():
        samples_ref[...] = jnp.zeros((_B, 1), jnp.int32)
        lp_ref[...] = jnp.max(sw_acc[...], axis=1, keepdims=True)


def kernel(logits, centers, mask_f, gumbel, epsilon, previous_object):
    prev = previous_object.astype(jnp.int32)
    prevc, mprev, lprev = _sc_gathers(centers, mask_f, logits, prev)
    samples2, lp2 = pl.pallas_call(
        _tc_body,
        grid=(_NB,),
        in_specs=[
            pl.BlockSpec((_B, _BV), lambda j: (0, j)),
            pl.BlockSpec((3, _BV), lambda j: (0, j)),
            pl.BlockSpec((1, _BV), lambda j: (0, j)),
            pl.BlockSpec((_B, 1), lambda j: (0, 0)),
            pl.BlockSpec((_B, 1), lambda j: (0, 0)),
            pl.BlockSpec((_B, 1), lambda j: (0, 0)),
            pl.BlockSpec((_B, 1), lambda j: (0, 0)),
            pl.BlockSpec((1, 1), lambda j: (0, 0)),
            pl.BlockSpec((_B, 1), lambda j: (0, 0)),
            pl.BlockSpec((_B, 1), lambda j: (0, 0)),
        ],
        out_specs=[
            pl.BlockSpec((_B, 1), lambda j: (0, 0)),
            pl.BlockSpec((_B, 1), lambda j: (0, 0)),
        ],
        out_shape=[
            jax.ShapeDtypeStruct((_B, 1), jnp.int32),
            jax.ShapeDtypeStruct((_B, 1), jnp.float32),
        ],
        scratch_shapes=[pltpu.VMEM((_B, _BV), jnp.float32)],
    )(logits, jnp.pad(centers.T, ((0, 0), (0, _NB * _BV - _V))),
      jnp.pad(mask_f, (0, _NB * _BV - _V)).reshape(1, -1),
      jnp.zeros((_B, 1), jnp.float32), jnp.zeros((_B, 1), jnp.float32),
      jnp.zeros((_B, 1), jnp.float32), jnp.zeros((_B, 1), jnp.int32),
      jnp.zeros((1, 1), jnp.float32), mprev, lprev)
    return samples2[:, 0], lp2[:, 0]

# --- scband reference (transcript-rebuilt; emitter-appended) ---
"""Pipeline reference for scband-model-60309930770642 (READ-ONLY COPY).

The authoritative reference and input builder live on the scoring server;
editing this copy changes nothing except your own understanding.
"""

import jax, jax.numpy as jnp
import numpy as np

B = 64
V = 100000
ORDER = 6
EPSILON = 0.5


def setup_inputs(seed: int = 0) -> dict:
    key = jax.random.key(seed)
    k1, k2, k3, k4, k5 = jax.random.split(key, 5)
    logits = jax.random.normal(k1, (B, V), dtype=jnp.float32)
    centers = jax.random.normal(k2, (V, 3), dtype=jnp.float32)
    mask_f = jax.random.uniform(k3, (V,), dtype=jnp.float32)
    u = jax.random.uniform(k4, (B, V), dtype=jnp.float32, minval=1e-6, maxval=1.0 - 1e-6)
    gumbel = -jnp.log(-jnp.log(u))
    previous_object = jax.random.randint(k5, (B,), 0, V).astype(jnp.int64)
    epsilon = jnp.asarray(EPSILON, dtype=jnp.float32)
    return {
        'logits': logits,
        'centers': centers,
        'mask_f': mask_f,
        'gumbel': gumbel,
        'epsilon': epsilon,
        'previous_object': previous_object,
    }


def reference(logits, centers, mask_f, gumbel, epsilon, previous_object):
    # Active-object mask (scene.mesh.mask analogue), derived from per-object floats
    mask = mask_f > 0.05  # [V]
    masks = jnp.broadcast_to(mask, logits.shape)  # [B, V]
    rows = jnp.arange(logits.shape[0])
    # Cannot revisit the previous object: mask.at[previous_object].set(False)
    masks = masks.at[rows, previous_object].set(False)

    # Distance-based weighting of flows (compute_flows_weight)
    prev_centers = jnp.take(centers, previous_object, axis=0)  # gather [B, 3]
    d = jnp.linalg.norm(centers[None, :, :] - prev_centers[:, None, :], axis=-1)  # [B, V]
    zero_d = d == 0.0
    d = jnp.where(zero_d, 1.0, d)
    w = 1.0 / (d * d)
    w = jnp.where(masks & (~zero_d), w, 0.0)
    wsum = jnp.sum(w, axis=-1, keepdims=True)
    w = jnp.where(wsum == 0.0, 1.0, w)
    w = w / jnp.sum(w, axis=-1, keepdims=True)

    # Apply mask and weight to flows (logits)
    neg_inf = jnp.finfo(logits.dtype).min
    masked_logits = jnp.where(masks, logits + jnp.log(w + 1e-12), neg_inf)
    probs = jax.nn.softmax(masked_logits, axis=-1)

    # Epsilon-greedy uniform mixing over valid actions
    n_valid = jnp.maximum(jnp.sum(masks, axis=-1, keepdims=True), 1)
    uniform = masks.astype(logits.dtype) / n_valid.astype(logits.dtype)
    p = (1.0 - epsilon) * probs + epsilon * uniform
    logp = jnp.log(p + 1e-12)

    # Gumbel-max categorical sampling of the next object
    samples = jnp.argmax(logp + gumbel, axis=-1)  # [B]
    logp_sel = jnp.take_along_axis(logp, samples[:, None], axis=-1)[:, 0]  # [B]
    return samples, logp_sel

if __name__ == "__main__":
    import jax
    _d = setup_inputs()
    print(jax.jit(kernel)(*tuple(_d.values())))

</pallas_src>

<mosaic_0001>
#map = affine_map<(d0, d1) -> (0)>
module attributes {stable_mosaic.version = 14 : i64} {
  func.func @k(%arg0: i32, %arg1: i32, %arg2: memref<64xf32, #tpu.memory_space<hbm>>, %arg3: memref<64xf32, #tpu.memory_space<hbm>>, %arg4: memref<64xf32, #tpu.memory_space<vmem>>) attributes {dimension_semantics = [#tpu.dimension_semantics<core_parallel>, #tpu.dimension_semantics<subcore_parallel>], iteration_bounds = array<i64: 2, 16>, scalar_prefetch = 0 : i64, scratch_operands = 1 : i64, tpu.core_type = #tpu.core_type<sc_vector_subcore>, window_params = [{transform_indices = #map}, {transform_indices = #map}]} {
    %eq3A = arith.constant 0 : i32
    %eq3A_0 = arith.cmpi eq, %arg0, %eq3A : i32
    %eq3A_1 = arith.constant 0 : i32
    %eq3A_2 = arith.cmpi eq, %arg1, %eq3A_1 : i32
    %and3A = arith.andi %eq3A_0, %eq3A_2 : i1
    %convert_element_type3A = arith.extui %and3A : i1 to i32
    %cond3A = arith.constant 0 : i32
    %cond3A_3 = arith.cmpi ne, %convert_element_type3A, %cond3A : i32
    scf.if %cond3A_3 {
      "tpu.region"() ({
        %run_scoped3A = tpu.sem_alloc : memref<!tpu.dma_semaphore, #tpu.memory_space<semaphore_mem>>
        tpu.enqueue_dma source(%arg2 : memref<64xf32, #tpu.memory_space<hbm>>) target(%arg4 : memref<64xf32, #tpu.memory_space<vmem>>) target_semaphore(%run_scoped3A : memref<!tpu.dma_semaphore, #tpu.memory_space<semaphore_mem>>)
        tpu.wait_dma2 semaphore(%run_scoped3A : memref<!tpu.dma_semaphore, #tpu.memory_space<semaphore_mem>>) src(%arg2 : memref<64xf32, #tpu.memory_space<hbm>>) dst(%arg4 : memref<64xf32, #tpu.memory_space<vmem>>)
        tpu.yield
      }) : () -> ()
      "tpu.region"() ({
        %run_scoped3A = tpu.sem_alloc : memref<!tpu.dma_semaphore, #tpu.memory_space<semaphore_mem>>
        tpu.enqueue_dma source(%arg4 : memref<64xf32, #tpu.memory_space<vmem>>) target(%arg3 : memref<64xf32, #tpu.memory_space<hbm>>) target_semaphore(%run_scoped3A : memref<!tpu.dma_semaphore, #tpu.memory_space<semaphore_mem>>)
        tpu.wait_dma2 semaphore(%run_scoped3A : memref<!tpu.dma_semaphore, #tpu.memory_space<semaphore_mem>>) src(%arg4 : memref<64xf32, #tpu.memory_space<vmem>>) dst(%arg3 : memref<64xf32, #tpu.memory_space<hbm>>)
        tpu.yield
      }) : () -> ()
    } else {
    }
    return
  }
}

module attributes {stable_mosaic.version = 14 : i64} {
  func.func @_tc_body(%arg0: i32, %arg1: memref<64x8192xf32, #tpu.memory_space<vmem>>, %arg2: memref<3x8192xf32, #tpu.memory_space<vmem>>, %arg3: memref<1x8192xf32, #tpu.memory_space<vmem>>, %arg4: memref<64x1xf32, #tpu.memory_space<vmem>>, %arg5: memref<64x1xf32, #tpu.memory_space<vmem>>, %arg6: memref<64x1xf32, #tpu.memory_space<vmem>>, %arg7: memref<64x1xi32, #tpu.memory_space<vmem>>, %arg8: memref<1x1xf32, #tpu.memory_space<vmem>>, %arg9: memref<64x1xf32, #tpu.memory_space<vmem>>, %arg10: memref<64x1xf32, #tpu.memory_space<vmem>>, %arg11: memref<64x1xi32, #tpu.memory_space<vmem>>, %arg12: memref<64x1xf32, #tpu.memory_space<vmem>>, %arg13: memref<64x8192xf32, #tpu.memory_space<vmem>>) attributes {dimension_semantics = [#tpu.dimension_semantics<arbitrary>], iteration_bounds = array<i64: 13>, scalar_prefetch = 0 : i64, scratch_operands = 1 : i64, tpu.core_type = #tpu.core_type<tc>, window_params = [{transform_indices = @transform_0, window_bounds = array<i64: 64, 8192>}, {transform_indices = @transform_1, window_bounds = array<i64: 3, 8192>}, {transform_indices = @transform_2, window_bounds = array<i64: 1, 8192>}, {pipeline_mode = #tpu.pipeline_mode<synchronous>, transform_indices = @transform_3, window_bounds = array<i64: 64, 1>}, {pipeline_mode = #tpu.pipeline_mode<synchronous>, transform_indices = @transform_4, window_bounds = array<i64: 64, 1>}, {pipeline_mode = #tpu.pipeline_mode<synchronous>, transform_indices = @transform_5, window_bounds = array<i64: 64, 1>}, {pipeline_mode = #tpu.pipeline_mode<synchronous>, transform_indices = @transform_6, window_bounds = array<i64: 64, 1>}, {pipeline_mode = #tpu.pipeline_mode<synchronous>, transform_indices = @transform_7, window_bounds = array<i64: 1, 1>}, {pipeline_mode = #tpu.pipeline_mode<synchronous>, transform_indices = @transform_8, window_bounds = array<i64: 64, 1>}, {pipeline_mode = #tpu.pipeline_mode<synchronous>, transform_indices = @transform_9, window_bounds = array<i64: 64, 1>}, {pipeline_mode = #tpu.pipeline_mode<synchronous>, transform_indices = @transform_10, window_bounds = array<i64: 64, 1>}, {pipeline_mode = #tpu.pipeline_mode<synchronous>, transform_indices = @transform_11, window_bounds = array<i64: 64, 1>}]} {
    %eq3A = arith.constant 0 : i32
    %eq3A_0 = arith.cmpi eq, %arg0, %eq3A : i32
    %convert_element_type3A = arith.extui %eq3A_0 : i1 to i32
    %cond3A = arith.constant 0 : i32
    %cond3A_1 = arith.cmpi ne, %convert_element_type3A, %cond3A : i32
    scf.if %cond3A_1 {
      %broadcast_in_dim3A = arith.constant 0.000000e+00 : f32
      %broadcast_in_dim3A_60 = vector.broadcast %broadcast_in_dim3A : f32 to vector<64x8192xf32>
      %swap3A_61 = arith.constant 0 : index
      %swap3A_62 = arith.constant 0 : index
      %swap3A_63 = vector.load %arg13[%swap3A_61, %swap3A_62] : memref<64x8192xf32, #tpu.memory_space<vmem>>, vector<64x8192xf32>
      tpu.vector_store %arg13[%swap3A_61, %swap3A_62], %broadcast_in_dim3A_60 {strides = array<i32>} : memref<64x8192xf32, #tpu.memory_space<vmem>>, vector<64x8192xf32>,
    } else {
    }
    %get3A = arith.constant 0 : index
    %get3A_2 = arith.constant 0 : index
    %get3A_3 = vector.load %arg13[%get3A, %get3A_2] : memref<64x8192xf32, #tpu.memory_space<vmem>>, vector<64x8192xf32>
    %get3A_4 = arith.constant 0 : index
    %get3A_5 = arith.constant 0 : index
    %get3A_6 = vector.load %arg1[%get3A_4, %get3A_5] : memref<64x8192xf32, #tpu.memory_space<vmem>>, vector<64x8192xf32>
    %get3A_7 = arith.constant 0 : index
    %get3A_8 = arith.constant 0 : index
    %get3A_9 = vector.load %arg2[%get3A_7, %get3A_8] : memref<3x8192xf32, #tpu.memory_space<vmem>>, vector<1x8192xf32>
    %add3A = vector.broadcast %get3A_9 : vector<1x8192xf32> to vector<64x8192xf32>
    %add3A_10 = arith.addf %get3A_6, %add3A : vector<64x8192xf32>
    %get3A_11 = arith.constant 0 : index
    %get3A_12 = arith.constant 0 : index
    %get3A_13 = vector.load %arg3[%get3A_11, %get3A_12] : memref<1x8192xf32, #tpu.memory_space<vmem>>, vector<1x8192xf32>
    %add3A_14 = vector.broadcast %get3A_13 : vector<1x8192xf32> to vector<64x8192xf32>
    %add3A_15 = arith.addf %add3A_10, %add3A_14 : vector<64x8192xf32>
    %get3A_16 = arith.constant 0 : index
    %get3A_17 = arith.constant 0 : index
    %get3A_18 = vector.load %arg4[%get3A_16, %get3A_17] : memref<64x1xf32, #tpu.memory_space<vmem>>, vector<64x1xf32>
    %add3A_19 = vector.broadcast %get3A_18 : vector<64x1xf32> to vector<64x8192xf32>
    %add3A_20 = arith.addf %add3A_15, %add3A_19 : vector<64x8192xf32>
    %get3A_21 = arith.constant 0 : index
    %get3A_22 = arith.constant 0 : index
    %get3A_23 = vector.load %arg5[%get3A_21, %get3A_22] : memref<64x1xf32, #tpu.memory_space<vmem>>, vector<64x1xf32>
    %add3A_24 = vector.broadcast %get3A_23 : vector<64x1xf32> to vector<64x8192xf32>
    %add3A_25 = arith.addf %add3A_20, %add3A_24 : vector<64x8192xf32>
    %get3A_26 = arith.constant 0 : index
    %get3A_27 = arith.constant 0 : index
    %get3A_28 = vector.load %arg6[%get3A_26, %get3A_27] : memref<64x1xf32, #tpu.memory_space<vmem>>, vector<64x1xf32>
    %add3A_29 = vector.broadcast %get3A_28 : vector<64x1xf32> to vector<64x8192xf32>
    %add3A_30 = arith.addf %add3A_25, %add3A_29 : vector<64x8192xf32>
    %get3A_31 = arith.constant 0 : index
    %get3A_32 = arith.constant 0 : index
    %get3A_33 = vector.load %arg8[%get3A_31, %get3A_32] : memref<1x1xf32, #tpu.memory_space<vmem>>, vector<1x1xf32>
    %add3A_34 = vector.broadcast %get3A_33 : vector<1x1xf32> to vector<64x8192xf32>
    %add3A_35 = arith.addf %add3A_30, %add3A_34 : vector<64x8192xf32>
    %get3A_36 = arith.constant 0 : index
    %get3A_37 = arith.constant 0 : index
    %get3A_38 = vector.load %arg9[%get3A_36, %get3A_37] : memref<64x1xf32, #tpu.memory_space<vmem>>, vector<64x1xf32>
    %add3A_39 = vector.broadcast %get3A_38 : vector<64x1xf32> to vector<64x8192xf32>
    %add3A_40 = arith.addf %add3A_35, %add3A_39 : vector<64x8192xf32>
    %get3A_41 = arith.constant 0 : index
    %get3A_42 = arith.constant 0 : index
    %get3A_43 = vector.load %arg10[%get3A_41, %get3A_42] : memref<64x1xf32, #tpu.memory_space<vmem>>, vector<64x1xf32>
    %add3A_44 = vector.broadcast %get3A_43 : vector<64x1xf32> to vector<64x8192xf32>
    %add3A_45 = arith.addf %add3A_40, %add3A_44 : vector<64x8192xf32>
    %get3A_46 = arith.constant 0 : index
    %get3A_47 = arith.constant 0 : index
    %get3A_48 = vector.load %arg7[%get3A_46, %get3A_47] : memref<64x1xi32, #tpu.memory_space<vmem>>, vector<64x1xi32>
    %convert_element_type3A_49 = arith.sitofp %get3A_48 : vector<64x1xi32> to vector<64x1xf32>
    %add3A_50 = vector.broadcast %convert_element_type3A_49 : vector<64x1xf32> to vector<64x8192xf32>
    %add3A_51 = arith.addf %add3A_45, %add3A_50 : vector<64x8192xf32>
    %add3A_52 = arith.addf %get3A_3, %add3A_51 : vector<64x8192xf32>
    %swap3A = arith.constant 0 : index
    %swap3A_53 = arith.constant 0 : index
    %swap3A_54 = vector.load %arg13[%swap3A, %swap3A_53] : memref<64x8192xf32, #tpu.memory_space<vmem>>, vector<64x8192xf32>
    tpu.vector_store %arg13[%swap3A, %swap3A_53], %add3A_52 {strides = array<i32>} : memref<64x8192xf32, #tpu.memory_space<vmem>>, vector<64x8192xf32>,
    %eq3A_55 = arith.constant 12 : i32
    %eq3A_56 = arith.cmpi eq, %arg0, %eq3A_55 : i32
    %convert_element_type3A_57 = arith.extui %eq3A_56 : i1 to i32
    %cond3A_58 = arith.constant 0 : i32
    %cond3A_59 = arith.cmpi ne, %convert_element_type3A_57, %cond3A_58 : i32
    scf.if %cond3A_59 {
      %broadcast_in_dim3A = arith.constant 0 : i32
      %broadcast_in_dim3A_60 = vector.broadcast %broadcast_in_dim3A : i32 to vector<64x1xi32>
      %swap3A_61 = arith.constant 0 : index
      %swap3A_62 = arith.constant 0 : index
      %swap3A_63 = vector.load %arg11[%swap3A_61, %swap3A_62] : memref<64x1xi32, #tpu.memory_space<vmem>>, vector<64x1xi32>
      tpu.vector_store %arg11[%swap3A_61, %swap3A_62], %broadcast_in_dim3A_60 {strides = array<i32>} : memref<64x1xi32, #tpu.memory_space<vmem>>, vector<64x1xi32>,
      %get3A_64 = arith.constant 0 : index
      %get3A_65 = arith.constant 0 : index
      %get3A_66 = vector.load %arg13[%get3A_64, %get3A_65] : memref<64x8192xf32, #tpu.memory_space<vmem>>, vector<64x8192xf32>
      %reduce_max3A = arith.constant dense<0xFF800000> : vector<64xf32>
      %reduce_max3A_67 = vector.multi_reduction <maximumf>, %get3A_66, %reduce_max3A [1] : vector<64x8192xf32> to vector<64xf32>
      %broadcast_in_dim3A_68 = vector.shape_cast %reduce_max3A_67 : vector<64xf32> to vector<64x1xf32>
      %swap3A_69 = arith.constant 0 : index
      %swap3A_70 = arith.constant 0 : index
      %swap3A_71 = vector.load %arg12[%swap3A_69, %swap3A_70] : memref<64x1xf32, #tpu.memory_space<vmem>>, vector<64x1xf32>
      tpu.vector_store %arg12[%swap3A_69, %swap3A_70], %broadcast_in_dim3A_68 {strides = array<i32>} : memref<64x1xf32, #tpu.memory_space<vmem>>, vector<64x1xf32>,
    } else {
    }
    return
  }
  func.func @transform_0(%arg0: i32) -> (i32, i32) {
    %c0_i32 = arith.constant 0 : i32
    %c0_i32_0 = arith.constant 0 : i32
    return %c0_i32, %arg0 : i32, i32
  }
  func.func @transform_1(%arg0: i32) -> (i32, i32) {
    %c0_i32 = arith.constant 0 : i32
    %c0_i32_0 = arith.constant 0 : i32
    return %c0_i32, %arg0 : i32, i32
  }
  func.func @transform_2(%arg0: i32) -> (i32, i32) {
    %c0_i32 = arith.constant 0 : i32
    %c0_i32_0 = arith.constant 0 : i32
    return %c0_i32, %arg0 : i32, i32
  }
  func.func @transform_3(%arg0: i32) -> (i32, i32) {
    %c0_i32 = arith.constant 0 : i32
    %c0_i32_0 = arith.constant 0 : i32
    %c0_i32_1 = arith.constant 0 : i32
    return %c0_i32, %c0_i32_0 : i32, i32
  }
  func.func @transform_4(%arg0: i32) -> (i32, i32) {
    %c0_i32 = arith.constant 0 : i32
    %c0_i32_0 = arith.constant 0 : i32
    %c0_i32_1 = arith.constant 0 : i32
    return %c0_i32, %c0_i32_0 : i32, i32
  }
  func.func @transform_5(%arg0: i32) -> (i32, i32) {
    %c0_i32 = arith.constant 0 : i32
    %c0_i32_0 = arith.constant 0 : i32
    %c0_i32_1 = arith.constant 0 : i32
    return %c0_i32, %c0_i32_0 : i32, i32
  }
  func.func @transform_6(%arg0: i32) -> (i32, i32) {
    %c0_i32 = arith.constant 0 : i32
    %c0_i32_0 = arith.constant 0 : i32
    %c0_i32_1 = arith.constant 0 : i32
    return %c0_i32, %c0_i32_0 : i32, i32
  }
  func.func @transform_7(%arg0: i32) -> (i32, i32) {
    %c0_i32 = arith.constant 0 : i32
    %c0_i32_0 = arith.constant 0 : i32
    %c0_i32_1 = arith.constant 0 : i32
    return %c0_i32, %c0_i32_0 : i32, i32
  }
  func.func @transform_8(%arg0: i32) -> (i32, i32) {
    %c0_i32 = arith.constant 0 : i32
    %c0_i32_0 = arith.constant 0 : i32
    %c0_i32_1 = arith.constant 0 : i32
    return %c0_i32, %c0_i32_0 : i32, i32
  }
  func.func @transform_9(%arg0: i32) -> (i32, i32) {
    %c0_i32 = arith.constant 0 : i32
    %c0_i32_0 = arith.constant 0 : i32
    %c0_i32_1 = arith.constant 0 : i32
    return %c0_i32, %c0_i32_0 : i32, i32
  }
  func.func @transform_10(%arg0: i32) -> (i32, i32) {
    %c0_i32 = arith.constant 0 : i32
    %c0_i32_0 = arith.constant 0 : i32
    %c0_i32_1 = arith.constant 0 : i32
    return %c0_i32, %c0_i32_0 : i32, i32
  }
  func.func @transform_11(%arg0: i32) -> (i32, i32) {
    %c0_i32 = arith.constant 0 : i32
    %c0_i32_0 = arith.constant 0 : i32
    %c0_i32_1 = arith.constant 0 : i32
    return %c0_i32, %c0_i32_0 : i32, i32
  }
}

</mosaic_0001>

<sc_bundles>
// kernel: kernel.4.cloned.1.call-start
scs
__scs_entry_jumppad:
0x0: {  	(pc) =	sbr.rel $0x88, $3  }
0x1: {  	(tag) =	ssettag $0x0;
	lr =	simm.s32 $0x1  }
0x2: {  	[smem:$0x3F9E] =	sst lr;
	_ =	strace $0xD0000000  }
0x3: {  	_ = 	snop  }
0x4: {  	_ = 	snop  }
0x5: {  	_ = 	snop  }
0x6: {  	_ = 	snop  }
0x7: {  	_ = 	snop  }
__scs_overlays_trampoline_lowered:
0x8: {  	[smem:$0x3FAD] =	sst s0  }
0x9: {  	[smem:$0x3FAE] =	sst s1  }
0xa: {  	[smem:$0x3FAF] =	sst s2  }
0xb: {  	[smem:$0x3FB0] =	sst s3  }
0xc: {  	[smem:$0x3FB1] =	sst s4  }
0xd: {  	[smem:$0x3FB2] =	sst s5  }
0xe: {  	[smem:$0x3FB3] =	sst s6  }
0xf: {  	[smem:$0x3FB4] =	sst s7  }
0x10: {  	[smem:$0x3FB5] =	sst s8  }
0x11: {  	[smem:$0x3FB6] =	sst s9;
	s0 =	simm.s32 @!p0 $0x0  }
0x12: {  	s1 =	sld [smem:$0x3F9C];
	s0 =	simm.s32 @p0 $0x1  }
0x13: {  	[smem:$0x3FB7] =	sst s0;
	s0 =	simm.s32 @!p1 $0x0  }
0x14: {  	s2 =	sld [smem:$0x3F9B];
	s0 =	simm.s32 @p1 $0x1  }
0x15: {  	[smem:$0x3FB8] =	sst s0;
	s0 =	simm.s32 @!p2 $0x0  }
0x16: {  	s3 =	sld [smem:$0x3FDB];
	s0 =	simm.s32 @p2 $0x1  }
0x17: {  	s4 =	simm.s32 $0x1BF5;
	[smem:$0x3FBA] =	sst s0  }
0x18: {  	s0 =	sld [smem:$0x3F9D];
	_ =	swait.ge [sflag:s4], $0x0  }
0x19: {  	s7 =	sld [smem:$0x3F9E]  }
0x1a: {  	s8 =	sadd.s32 $0xFFFFE003, lr  }
0x1b: {  	s9 =	sadd.s32 $0xFFFFFEF7, lr;
	s5 =	simm.s32 $0xFFFFFFFF;
	p2 =	slt.u32 s8, $0xFFFFF086  }
0x1c: {  	p1 =	slt.u32 s9, $0xF7A;
	s5 =	simm.s32 @!p2 $0x0  }
0x1d: {  	s5 =	simm.s32 @p1 $0x1;
	p0 =	seq.s32 s7, s2  }
0x1e: {  	s7 =	smul.u32 @!p0 $0xF7A, s2;
	p2 =	seq.s32 @!p0 s5, $0x0  }
0x1f: {  	s9 =	smul.u32 $0xF7A, s1;
	s8 =	simm.s32 @!p0 $0x1BF5;
	p2 =	por !p2, p0  }
0x20: {  	[sflag:s8] =	ssyncset.s32 @!p0 $0xFFFFF086;
	s6 =	sadd.s32 @!p0 s3, s7;
	s7 =	simm.s32 @!p0 $0x108  }
0x21: {  	s3 =	sadd.s32 s3, s9;
	s6 =	sadd.s32 @!p0 $0x88, s6;
	s7 =	simm.s32 @p2 $0x1082  }
0x22: {  	[simem:s7], [sflag:s8] =	dma.local @!p0 [hbm:s6], $0xF7A  }
0x23: {  	s9 =	sor.u32 $0xD0000000, s2;
	s6 =	simm.s32 $0x108;
	_ =	swait.ge @!p0 [sflag:s8], $0x0  }
0x24: {  	s3 =	sadd.s32 $0x88, s3;
	s6 =	simm.s32 @!p1 $0x1082;
	[sflag:s4] =	ssyncset.s32 $0xFFFFF086  }
0x25: {  	[simem:s6], [sflag:s4] =	dma.local [hbm:s3], $0xF7A  }
0x26: {  	[smem:$0x3F9E] =	sst s1;
	(tag) =	ssettag s2;
	_ =	strace s9  }
0x27: {  	s1 =	sld [smem:$0x3FAE]  }
0x28: {  	s2 =	sld [smem:$0x3FAF]  }
0x29: {  	s4 =	sld [smem:$0x3FB1]  }
0x2a: {  	p0 =	seq.s32 s5, $0x0;
	s5 =	sld [smem:$0x3FB2]  }
0x2b: {  	s6 =	sld [smem:$0x3FB3]  }
0x2c: {  	s7 =	sld [smem:$0x3FB4]  }
0x2d: {  	s3 =	simm.s32 $0x108;
	s8 =	sld [smem:$0x3FB5]  }
0x2e: {  	s3 =	simm.s32 @!p0 $0x1082;
	s9 =	sld [smem:$0x3FB6]  }
0x2f: {  	lr =	sadd.s32 s0, s3;
	s0 =	sld [smem:$0x3FAD]  }
0x30: {  	s3 =	sld [smem:$0x3FB0]  }
0x31: {  	[smem:$0x3FB9] =	sst s10  }
0x32: {  	s10 =	sld [smem:$0x3FB7];
	_ =	sdelay $0x3  }
0x33: {  	p0 =	seq.s32 s10, $0x1;
	s10 =	sld [smem:$0x3FB9];
	_ =	sdelay $0x3  }
0x34: {  	[smem:$0x3FB9] =	sst s10  }
0x35: {  	s10 =	sld [smem:$0x3FB8];
	_ =	sdelay $0x3  }
0x36: {  	p1 =	seq.s32 s10, $0x1;
	s10 =	sld [smem:$0x3FB9];
	_ =	sdelay $0x3  }
0x37: {  	[smem:$0x3FB9] =	sst s10  }
0x38: {  	s10 =	sld [smem:$0x3FBA]  }
0x39: {  	_ = 	snop;
	(pc) =	sbr.ind lr, $3  }
0x3a: {  	_ = 	snop  }
0x3b: {  	_ = 	snop  }
0x3c: {  	p2 =	seq.s32 s10, $0x1;
	s10 =	sld [smem:$0x3FB9]  }
0x3d: {  	_ =	shalt  }
0x3e: {  	_ =	shalt  }
0x3f: {  	_ =	shalt  }
0x40: {  	_ =	shalt  }
0x41: {  	_ =	shalt  }
0x42: {  	_ =	shalt  }
0x43: {  	_ =	shalt  }
0x44: {  	_ =	shalt  }
0x45: {  	_ =	shalt  }
0x46: {  	_ =	shalt  }
0x47: {  	_ =	shalt  }
0x48: {  	_ =	shalt  }
0x49: {  	_ =	shalt  }
0x4a: {  	_ =	shalt  }
0x4b: {  	_ =	shalt  }
0x4c: {  	_ =	shalt  }
0x4d: {  	_ =	shalt  }
0x4e: {  	_ =	shalt  }
0x4f: {  	_ =	shalt  }
0x50: {  	_ =	shalt  }
0x51: {  	_ =	shalt  }
0x52: {  	_ =	shalt  }
0x53: {  	_ =	shalt  }
0x54: {  	_ =	shalt  }
0x55: {  	_ =	shalt  }
0x56: {  	_ =	shalt  }
0x57: {  	_ =	shalt  }
0x58: {  	_ =	shalt  }
0x59: {  	_ =	shalt  }
0x5a: {  	_ =	shalt  }
0x5b: {  	_ =	shalt  }
0x5c: {  	_ =	shalt  }
0x5d: {  	_ =	shalt  }
0x5e: {  	_ =	shalt  }
0x5f: {  	_ =	shalt  }
0x60: {  	_ =	shalt  }
0x61: {  	_ =	shalt  }
0x62: {  	_ =	shalt  }
0x63: {  	_ =	shalt  }
0x64: {  	_ =	shalt  }
0x65: {  	_ =	shalt  }
0x66: {  	_ =	shalt  }
0x67: {  	_ =	shalt  }
0x68: {  	_ =	shalt  }
0x69: {  	_ =	shalt  }
0x6a: {  	_ =	shalt  }
0x6b: {  	_ =	shalt  }
0x6c: {  	_ =	shalt  }
0x6d: {  	_ =	shalt  }
0x6e: {  	_ =	shalt  }
0x6f: {  	_ =	shalt  }
0x70: {  	_ =	shalt  }
0x71: {  	_ =	shalt  }
0x72: {  	_ =	shalt  }
0x73: {  	_ =	shalt  }
0x74: {  	_ =	shalt  }
0x75: {  	_ =	shalt  }
0x76: {  	_ =	shalt  }
0x77: {  	_ =	shalt  }
0x78: {  	_ =	shalt  }
0x79: {  	_ =	shalt  }
0x7a: {  	_ =	shalt  }
0x7b: {  	_ =	shalt  }
0x7c: {  	_ =	shalt  }
0x7d: {  	_ =	shalt  }
0x7e: {  	_ =	shalt  }
0x7f: {  	_ =	shalt  }
0x80: {  	_ =	shalt  }
0x81: {  	_ =	shalt  }
0x82: {  	_ =	shalt  }
0x83: {  	_ =	shalt  }
0x84: {  	_ =	shalt  }
0x85: {  	_ =	shalt  }
0x86: {  	_ =	shalt  }
0x87: {  	_ =	shalt  }
.Lfunc_end0:
.L_simem_size_0:
called_computation_lowered:
.L_overlay_start_0:
0x88: {  	s2 =	sld [smem:$0x3FD9]  }
0x89: {  	s3 =	sld [smem:$0x3FFE];
	_ =	sdelay $0x1  }
0x8a: {  	s1 =	srdreg.scid  }
0x8b: {  	s0 =	sand.u32 $0x1, s1  }
0x8c: {  	s15 =	sshll.u32 s0, $0xA;
	s2 =	sadd.s32 s3, s2  }
0x8d: {  	s2 =	sadd.s32 s2, s15  }
0x8e: {  	[smem:$0x3FC5] =	sst s2  }
0x8f: {  	_ = 	snop  }
0x90: {  	s2 =	sld [smem:$0x3FD0];
	_ =	sdelay $0x2  }
0x91: {  	s16 =	simm.s32 $0xA;
	s4 =	simm.s32 $0x10  }
0x92: {  	[smem:s4], [sflag:s16] =	dma.local [hbm:s2], $0x1  }
0x93: {  	_ =	swait.eq [sflag:s16], $0x1  }
0x94: {  	[sflag:s16] =	ssyncset.done $0x0  }
0x95: {  	s17 =	sld [smem:$0x10];
	[sflag:s16] =	ssyncadd.s32 $0xFFFFFFFF  }
0x96: {  	s18 =	sld [smem:$0x11];
	(tm) =	ssettm $0x1  }
0x97: {  	s19 =	sld [smem:$0x3FFB];
	_ =	sdelay $0x3  }
0x98: {  	_ =	strace s19  }
0x99: {  	s4 =	sld [smem:$0x3FFC];
	_ =	sdelay $0x3  }
0x9a: {  	_ =	strace s4  }
0x9b: {  	s4 =	sld [smem:$0x3FFD];
	_ =	sdelay $0x3  }
0x9c: {  	_ =	strace s4  }
0x9d: {  	_ =	strace $0x8FFFFFFF  }
0x9e: {  	s20 =	sld [smem:$0x3FDB];
	_ =	sdelay $0x1  }
0x9f: {  	s5 =	simm.s32 $_scs_section_size  }
0xa0: {  	s6 =	simm.s32 $_size__tile_overlayer_lowered;
	s7 =	simm.s32 $_tile_overlayer_lowered  }
0xa1: {  	s23 =	simm.s32 $0x1BFF;
	s22 =	sshll.u32 s7, $0x1;
	s4 =	sadd.s32 s5, s20  }
0xa2: {  	s8 =	simm.s32 $0x0;
	s21 =	sshll.u32 s6, $0x1;
	s6 =	sadd.s32 s22, s4  }
0xa3: {  	[timem:s8], [sflag:s23] =	dma.local [hbm:s6], s21  }
0xa4: {  	_ =	swait.ge [sflag:s23], s21  }
0xa5: {  	s5 =	ssub.s32 $0x0, s21;
	[sflag:s23] =	ssyncset.done $0x0  }
0xa6: {  	[sflag:s23] =	ssyncadd.s32 s5;
	_ =	sdelay $0x1  }
0xa7: {  	s24 =	simm.s32 $0x1B8B  }
0xa8: {  	_ =	swait.ge [sflag:s24], $0x1  }
0xa9: {  	[sflag:s24] =	ssyncset.done $0x0  }
0xaa: {  	s25 =	simm.s32 $0x1B8E;
	[sflag:s24] =	ssyncadd.s32 $0xFFFFFFFF  }
0xab: {  	s26 =	simm.s32 $execute0_lowered;
	[smem:$0x3FD2] =	sst s25  }
0xac: {  	s5 =	sshll.u32 s26, $0x1;
	_ =	strace $0x80000046;
	[dreg:$0x1] =	wrdreg $0xFFFFFFFF  }
0xad: {  	s28 =	simm.s32 $_size_execute0_lowered;
	s4 =	sadd.s32 s4, s5;
	[dreg:$0x0] =	wrdreg $0x0  }
0xae: {  	s5 =	sshll.u32 s28, $0x1;
	[dreg:$0x2] =	wrdreg s4  }
0xaf: {  	[dreg:$0x3] =	wrdreg s5  }
0xb0: {  	[dreg:$0x4] =	wrdreg $0xC0  }
0xb1: {  	_ =	task [dreg:s8], $0x5FFFF  }
0xb2: {  	[dreg:$0x1] =	wrdreg $0xFFFFFFFF  }
0xb3: {  	[dreg:$0x0] =	wrdreg $0x60  }
0xb4: {  	[dreg:$0x2] =	wrdreg s18  }
0xb5: {  	[dreg:$0x3] =	wrdreg s17  }
0xb6: {  	[dreg:$0x4] =	wrdreg $0x9  }
0xb7: {  	_ =	task.clear_ibuf [dreg:s8], $0x5FFFF;
	_ =	strace $0x90000046  }
0xb8: {  	s29 =	simm.s32 $0x9;
	_ =	strace $0x80000048  }
0xb9: {  	_ =	swait.ge [sflag:s29], $0x1  }
0xba: {  	[sflag:s29] =	ssyncadd.s32 $0xFFFFFFFF  }
0xbb: {  	_ =	strace $0x90000048  }
0xbc: {  	_ =	sfence  }
0xbd: {  	s30 =	sld [smem:$0x0];
	_ =	sdelay $0x2  }
0xbe: {  	s31 =	sshll.u32 s1, $0xD;
	s1 =	sshrl.u32 s1, $0x2  }
0xbf: {  	s3 =	sand.u32 $0x4000, s31;
	s1 =	sadd.s32 s1, s30  }
0xc0: {  	s0 =	sor.u32 s3, s0;
	s1 =	sshll.u32 s1, $0x11  }
0xc1: {  	s0 =	sor.u32 s1, s0  }
0xc2: {  	s0 =	sadd.s32 $0x8F2B, s0  }
0xc3: {  	[sflag:s0] =	ssyncadd.remote.s32 $0x1  }
0xc4: {  	_ =	sfence.sel $0xFFFF  }
0xc5: {  	[dreg:$0x0] =	wrdreg $0xFFFFFFFF;
	(pc) =	sbr.abs _section_cstart, $3  }
0xc6: {  	[dreg:$0x1] =	wrdreg $0xFFFFFFFF  }
0xc7: {  	_ =	task.clear_ibuf [dreg:s8], $0x2FFFF;
	_ =	strace $0x9FFFFFFF  }
0xc8: {  	(tm) =	ssettm $0x7FFFFFFF  }
0xc9: {  	_ =	shalt  }
tec
execute0_lowered:
.L_overlay_start_1:
0x0: {  	(tag) =	ssettag $0x1  }
0x1: {  	s0 =	srdreg.scid  }
0x2: {  	s6 =	sand.u32 $0x1, s0;
	s0 =	stileid.u32  }
0x3: {  	s4 =	sor.u32 s0, s6  }
0x4: {  	p0 =	sne.s32 s4, $0x0  }
.Ltmp0:
0x5: {  	_ = 	snop;
	(pc) =	sbr.rel @p0 .LBB2_4-.Ltmp0, $4  }
0x6: {  	_ = 	snop  }
0x7: {  	s2 =	rddreg [dreg:$0x0]  }
0x8: {  	s3 =	rddreg [dreg:$0x1]  }
0x9: {  	s1 =	rddreg [dreg:$0x2];
	_ =	strace $0x80000047  }
0xa: {  	s5 =	simm.s32 $0x0;
	s6 =	ssub.s32 $0x2, s6  }
0xb: {  	[tilespmem:s5], [sflag:$0x1] =	stream.linear.gather [hbm4b:s2+s5], $0x40, $0x38;
	[tilespmem:$0x40] =	vst v63  }
0xc: {  	s7 =	sshrl.u32 s6, $0x1  }
0xd: {  	s4 =	simm.s32 $0x1;
	s6 =	ssub.s32 s6, s7  }
0xe: {  	_ =	swait.ge [sflag:s4], $0x40;
	p0 =	sne.s32 s6, $0x1  }
.Ltmp1:
0xf: {  	[sflag:s4] =	ssyncset.done $0x0;
	(pc) =	sbr.rel @!p0 .LBB2_3-.Ltmp1, $4  }
0x10: {  	[sflag:s4] =	ssyncadd.s32 $0xFFFFFFC0  }
0x11: {  	[hbm4b:s3+s5] =	stream.linear.scatter [tilespmem:s5], [sflag:$0x1], $0x40, $0x38;
	[tilespmem:$0x40] =	vst v63  }
0x12: {  	_ =	swait.ge [sflag:s4], $0x40  }
0x13: {  	s6 =	sadd.s32 $0xFFFFFFFF, s6;
	[sflag:s4] =	ssyncset.done $0x0  }
.LBB2_2:
0x14: {  	p0 =	sne.s32 s6, $0x1;
	s6 =	sadd.s32 $0xFFFFFFFF, s6;
	[sflag:s4] =	ssyncadd.s32 $0xFFFFFFC0  }
0x15: {  	[tilespmem:s5], [sflag:$0x1] =	stream.linear.gather [hbm4b:s2+s5], $0x40, $0x38;
	[tilespmem:$0x40] =	vst v63  }
0x16: {  	_ =	swait.ge [sflag:s4], $0x40  }
.Ltmp2:
0x17: {  	[sflag:s4] =	ssyncset.done $0x0;
	(pc) =	sbr.rel @p0 .LBB2_2-.Ltmp2, $4  }
0x18: {  	[sflag:s4] =	ssyncadd.s32 $0xFFFFFFC0  }
0x19: {  	[hbm4b:s3+s5] =	stream.linear.scatter [tilespmem:s5], [sflag:$0x1], $0x40, $0x38;
	[tilespmem:$0x40] =	vst v63  }
0x1a: {  	_ =	swait.ge [sflag:s4], $0x40  }
0x1b: {  	[sflag:s4] =	ssyncset.done $0x0  }
.LBB2_3:
0x1c: {  	[sflag:s4] =	ssyncadd.s32 $0xFFFFFFC0  }
.LBB2_4:
0x1d: {  	_ =	sfence.sel $0x180000  }
0x1e: {  	[bflag:$0x0] =	sbarrier.arrive $0xFFFF  }
0x1f: {  	p0 =	sne.s32 s0, $0x0;
	_ =	strace $0x90000047  }
0x20: {  	s0 =	sadd.s32 @!p0 $0x100000, s1;
	[bflag:$0x2] =	sbarrier.arrive $0xFFFF  }
0x21: {  	[sflag:s0] =	ssyncadd.tile.s32 @!p0 $0x1;
	_ =	shalt  }
.Lfunc_end2:
_tile_overlayer_lowered:
.L_overlay_start_2:
0x22: {  	(tag) =	ssettag $0x2  }
0x23: {  	s0 =	rddreg [dreg:$0x0];
	s2 =	stileid.u32  }
0x24: {  	s1 =	rddreg [dreg:$0x1];
	p0 =	sne.s32 s2, $0x0  }
0x25: {  	s3 =	rddreg [dreg:$0x2];
	[bflag:$0x3] =	sbarrier.arrive $0xFFFF;
	s2 =	simm.s32 @!p0 $0x1C01  }
0x26: {  	[timem:s3], [sflag:s2] =	dma.local @!p0 [hbm:s0], s1  }
0x27: {  	s0 =	simm.s32 @!p0 $0x1  }
0x28: {  	_ =	swait.ge @!p0 [sflag:s0], s1  }
0x29: {  	s1 =	ssub.s32 @!p0 $0x0, s1;
	[sflag:s0] =	ssyncset.done @!p0 $0x0  }
0x2a: {  	[sflag:s0] =	ssyncadd.s32 @!p0 s1  }
0x2b: {  	[bflag:$0x3] =	sbarrier.arrive $0xFFFF  }
0x2c: {  	_ =	shalt  }

</sc_bundles>
